<compile_context>
chip_gen: v7x
topology: tpu7x:2x2x1
jax: 0.10.2.dev20260603
libtpu: 0.0.44.dev20260713+nightly
codegen_flags: <defaults>
</compile_context>

<pallas_src>
import functools

import jax
import jax.numpy as jnp
from jax import lax
from jax.experimental import pallas as pl
from jax.experimental.pallas import tpu as pltpu
from jax.experimental.pallas import tpu_sc as plsc

_HIDDEN = 2048
_NTOK = 4 * 8192
_NC = 2
_NS = 16
_NW = _NC * _NS
_PER_W = _NTOK // _NW
_CHUNK = 8
_NCHUNK = _PER_W // _CHUNK
_K = 4
_LA = 2
_NMAIN = (_NCHUNK // _K) * _K


def _embed_body(idx_hbm, table_hbm, out_hbm, idx_v, bufs, gsems, wsems):
    c = lax.axis_index("c")
    s = lax.axis_index("s")
    wid = s * _NC + c
    base = wid * _PER_W

    pltpu.sync_copy(idx_hbm.at[pl.ds(base, _PER_W)], idx_v)

    def gather(i, b):
        pltpu.async_copy(
            table_hbm.at[idx_v.at[pl.ds(i * _CHUNK, _CHUNK)]],
            bufs[b],
            gsems[b],
        )

    def wait_gather(b):
        pltpu.make_async_copy(
            table_hbm.at[pl.ds(0, _CHUNK)], bufs[b], gsems[b]
        ).wait()

    def write(i, b):
        pltpu.async_copy(
            bufs[b], out_hbm.at[pl.ds(base + i * _CHUNK, _CHUNK)], wsems[b]
        )

    def wait_write(b):
        pltpu.make_async_copy(
            bufs[b], out_hbm.at[pl.ds(base, _CHUNK)], wsems[b]
        ).wait()

    for b in range(_LA):
        gather(b, b)

    def group(g, carry):
        for b in range(_K):
            i = g * _K + b

            wait_gather(b)
            write(i, b)

            j = i + _LA
            bj = (b + _LA) % _K

            @pl.when(jnp.logical_and(j >= _K, j < _NCHUNK))
            def _drain():
                wait_write(bj)

            @pl.when(j < _NCHUNK)
            def _refill():
                gather(j, bj)

        return carry

    lax.fori_loop(0, _NMAIN // _K, group, 0)

    for i in range(_NMAIN, _NCHUNK):
        b = i % _K
        wait_gather(b)
        write(i, b)
    for b in range(_K):
        wait_write(b)


_embed = functools.partial(
    pl.kernel,
    out_type=jax.ShapeDtypeStruct((_NTOK, _HIDDEN), jnp.float32),
    mesh=plsc.VectorSubcoreMesh(core_axis_name="c", subcore_axis_name="s"),
    scratch_types=[
        pltpu.VMEM((_PER_W,), jnp.int32),
        [pltpu.VMEM((_CHUNK, _HIDDEN), jnp.float32) for _ in range(_K)],
        [pltpu.SemaphoreType.DMA for _ in range(_K)],
        [pltpu.SemaphoreType.DMA for _ in range(_K)],
    ],
)(_embed_body)


@jax.jit
def kernel(input_ids, embed_tokens_weight):
    batch, seq = input_ids.shape
    flat_ids = input_ids.reshape(-1)
    out = _embed(flat_ids, embed_tokens_weight)
    return out.reshape(batch, seq, embed_tokens_weight.shape[1])

# --- scband reference (transcript-rebuilt; emitter-appended) ---
"""Pipeline reference for scband-mm-frontend-text-52097953300779 (READ-ONLY COPY).

The authoritative reference and input builder live on the scoring server;
editing this copy changes nothing except your own understanding.
"""

import jax, jax.numpy as jnp
import numpy as np

VOCAB = 100000
HIDDEN = 2048
BATCH = 4
SEQ = 8192

def setup_inputs(seed: int = 0) -> dict:
    key = jax.random.key(seed)
    k1, k2 = jax.random.split(key)
    input_ids = jax.random.randint(k1, (BATCH, SEQ), 0, VOCAB, dtype=jnp.int32)
    embed_tokens_weight = jax.random.normal(k2, (VOCAB, HIDDEN), dtype=jnp.float32) * 0.02
    return {"input_ids": input_ids, "embed_tokens_weight": embed_tokens_weight}

def reference(input_ids, embed_tokens_weight):
    # Faithful translation of self.embed_tokens(input_ids): a row-gather from the
    # embedding table (maps to SparseCore gather).
    hidden_states = jnp.take(embed_tokens_weight, input_ids, axis=0)
    return hidden_states

if __name__ == "__main__":
    import jax
    _d = setup_inputs()
    print(jax.jit(kernel)(*tuple(_d.values())))

</pallas_src>

<mosaic_0001>
#map = affine_map<(d0, d1) -> (0)>
#map1 = affine_map<(d0, d1) -> (0, 0)>
module attributes {stable_mosaic.version = 14 : i64} {
  func.func @_embed_body(%arg0: i32, %arg1: i32, %arg2: memref<32768xi32, #tpu.memory_space<hbm>>, %arg3: memref<100000x2048xf32, #tpu.memory_space<hbm>>, %arg4: memref<32768x2048xf32, #tpu.memory_space<hbm>>, %arg5: memref<1024xi32, #tpu.memory_space<vmem>>, %arg6: memref<8x2048xf32, #tpu.memory_space<vmem>>, %arg7: memref<8x2048xf32, #tpu.memory_space<vmem>>, %arg8: memref<8x2048xf32, #tpu.memory_space<vmem>>, %arg9: memref<8x2048xf32, #tpu.memory_space<vmem>>, %arg10: memref<!tpu.dma_semaphore, #tpu.memory_space<semaphore_mem>>, %arg11: memref<!tpu.dma_semaphore, #tpu.memory_space<semaphore_mem>>, %arg12: memref<!tpu.dma_semaphore, #tpu.memory_space<semaphore_mem>>, %arg13: memref<!tpu.dma_semaphore, #tpu.memory_space<semaphore_mem>>, %arg14: memref<!tpu.dma_semaphore, #tpu.memory_space<semaphore_mem>>, %arg15: memref<!tpu.dma_semaphore, #tpu.memory_space<semaphore_mem>>, %arg16: memref<!tpu.dma_semaphore, #tpu.memory_space<semaphore_mem>>, %arg17: memref<!tpu.dma_semaphore, #tpu.memory_space<semaphore_mem>>) attributes {dimension_semantics = [#tpu.dimension_semantics<core_parallel>, #tpu.dimension_semantics<subcore_parallel>], iteration_bounds = array<i64: 2, 16>, scalar_prefetch = 0 : i64, scratch_operands = 13 : i64, tpu.core_type = #tpu.core_type<sc_vector_subcore>, window_params = [{transform_indices = #map}, {transform_indices = #map1}, {transform_indices = #map1}]} {
    %mul3A = arith.constant 2 : i32
    %mul3A_0 = arith.muli %arg1, %mul3A : i32
    %add3A = arith.addi %mul3A_0, %arg0 : i32
    %mul3A_1 = arith.constant 1024 : i32
    %mul3A_2 = arith.muli %add3A, %mul3A_1 : i32
    "tpu.region"() ({
      %run_scoped3A = tpu.sem_alloc : memref<!tpu.dma_semaphore, #tpu.memory_space<semaphore_mem>>
      %dma_start3A_32 = tpu.memref_slice %arg2[%mul3A_2] : memref<32768xi32, #tpu.memory_space<hbm>> -> memref<1024xi32, #tpu.memory_space<hbm>>
      %dma_start3A_33 = tpu.memref_slice %arg2[%mul3A_2] : memref<32768xi32, #tpu.memory_space<hbm>> -> memref<1024xi32, #tpu.memory_space<hbm>>
      tpu.enqueue_dma source(%dma_start3A_33 : memref<1024xi32, #tpu.memory_space<hbm>>) target(%arg5 : memref<1024xi32, #tpu.memory_space<vmem>>) target_semaphore(%run_scoped3A : memref<!tpu.dma_semaphore, #tpu.memory_space<semaphore_mem>>)
      %dma_wait3A_34 = tpu.memref_slice %arg2[%mul3A_2] : memref<32768xi32, #tpu.memory_space<hbm>> -> memref<1024xi32, #tpu.memory_space<hbm>>
      %dma_wait3A_35 = tpu.memref_slice %arg2[%mul3A_2] : memref<32768xi32, #tpu.memory_space<hbm>> -> memref<1024xi32, #tpu.memory_space<hbm>>
      tpu.wait_dma2 semaphore(%run_scoped3A : memref<!tpu.dma_semaphore, #tpu.memory_space<semaphore_mem>>) src(%dma_wait3A_35 : memref<1024xi32, #tpu.memory_space<hbm>>) dst(%arg5 : memref<1024xi32, #tpu.memory_space<vmem>>)
      tpu.yield
    }) : () -> ()
    %dma_start3A = arith.constant 0 : i32
    %dma_start3A_3 = tpu.memref_slice %arg5[%dma_start3A] : memref<1024xi32, #tpu.memory_space<vmem>> -> memref<8xi32, #tpu.memory_space<vmem>>
    %dma_start3A_4 = arith.constant 0 : i32
    %dma_start3A_5 = arith.constant 0 : i32
    %dma_start3A_6 = tpu.memref_slice %arg3[%dma_start3A_4, %dma_start3A_5] : memref<100000x2048xf32, #tpu.memory_space<hbm>> -> memref<100000x2048xf32, #tpu.memory_space<hbm>>
    tpu.enqueue_indirect_dma source(%dma_start3A_6 : memref<100000x2048xf32, #tpu.memory_space<hbm>>) target(%arg6 : memref<8x2048xf32, #tpu.memory_space<vmem>>) offsets(%dma_start3A_3 : memref<8xi32, #tpu.memory_space<vmem>>) semaphore(%arg10 : memref<!tpu.dma_semaphore, #tpu.memory_space<semaphore_mem>>)
    %dma_start3A_7 = arith.constant 8 : i32
    %dma_start3A_8 = tpu.memref_slice %arg5[%dma_start3A_7] : memref<1024xi32, #tpu.memory_space<vmem>> -> memref<8xi32, #tpu.memory_space<vmem>>
    %dma_start3A_9 = arith.constant 0 : i32
    %dma_start3A_10 = arith.constant 0 : i32
    %dma_start3A_11 = tpu.memref_slice %arg3[%dma_start3A_9, %dma_start3A_10] : memref<100000x2048xf32, #tpu.memory_space<hbm>> -> memref<100000x2048xf32, #tpu.memory_space<hbm>>
    tpu.enqueue_indirect_dma source(%dma_start3A_11 : memref<100000x2048xf32, #tpu.memory_space<hbm>>) target(%arg7 : memref<8x2048xf32, #tpu.memory_space<vmem>>) offsets(%dma_start3A_8 : memref<8xi32, #tpu.memory_space<vmem>>) semaphore(%arg11 : memref<!tpu.dma_semaphore, #tpu.memory_space<semaphore_mem>>)
    %scan3A = arith.constant 0 : i32
    %scan3A_12 = arith.constant 0 : i32
    %scan3A_13 = arith.constant 32 : i32
    %scan3A_14 = arith.addi %scan3A_12, %scan3A_13 : i32
    %scan3A_15 = arith.constant 1 : i32
    scf.for %scan3A_32 = %scan3A_12 to %scan3A_14 step %scan3A_15  : i32 {
      %mul3A_33 = arith.constant 4 : i32
      %mul3A_34 = arith.muli %scan3A_32, %mul3A_33 : i32
      %add3A_35 = arith.constant 0 : i32
      %add3A_36 = arith.addi %mul3A_34, %add3A_35 : i32
      %dma_wait3A_37 = arith.constant 0 : i32
      %dma_wait3A_38 = arith.constant 0 : i32
      %dma_wait3A_39 = tpu.memref_slice %arg3[%dma_wait3A_37, %dma_wait3A_38] : memref<100000x2048xf32, #tpu.memory_space<hbm>> -> memref<8x2048xf32, #tpu.memory_space<hbm>>
      %dma_wait3A_40 = arith.constant 0 : i32
      %dma_wait3A_41 = arith.constant 0 : i32
      %dma_wait3A_42 = tpu.memref_slice %arg3[%dma_wait3A_40, %dma_wait3A_41] : memref<100000x2048xf32, #tpu.memory_space<hbm>> -> memref<8x2048xf32, #tpu.memory_space<hbm>>
      tpu.wait_dma2 semaphore(%arg10 : memref<!tpu.dma_semaphore, #tpu.memory_space<semaphore_mem>>) src(%dma_wait3A_42 : memref<8x2048xf32, #tpu.memory_space<hbm>>) dst(%arg6 : memref<8x2048xf32, #tpu.memory_space<vmem>>)
      %mul3A_43 = arith.constant 8 : i32
      %mul3A_44 = arith.muli %add3A_36, %mul3A_43 : i32
      %add3A_45 = arith.addi %mul3A_2, %mul3A_44 : i32
      %dma_start3A_46 = arith.constant 0 : i32
      %dma_start3A_47 = tpu.memref_slice %arg4[%add3A_45, %dma_start3A_46] : memref<32768x2048xf32, #tpu.memory_space<hbm>> -> memref<8x2048xf32, #tpu.memory_space<hbm>>
      %dma_start3A_48 = arith.constant 0 : i32
      %dma_start3A_49 = tpu.memref_slice %arg4[%add3A_45, %dma_start3A_48] : memref<32768x2048xf32, #tpu.memory_space<hbm>> -> memref<8x2048xf32, #tpu.memory_space<hbm>>
      tpu.enqueue_dma source(%arg6 : memref<8x2048xf32, #tpu.memory_space<vmem>>) target(%dma_start3A_49 : memref<8x2048xf32, #tpu.memory_space<hbm>>) target_semaphore(%arg14 : memref<!tpu.dma_semaphore, #tpu.memory_space<semaphore_mem>>)
      %add3A_50 = arith.constant 2 : i32
      %add3A_51 = arith.addi %add3A_36, %add3A_50 : i32
      %ge3A = arith.constant 4 : i32
      %ge3A_52 = arith.cmpi sge, %add3A_51, %ge3A : i32
      %lt3A = arith.constant 128 : i32
      %lt3A_53 = arith.cmpi slt, %add3A_51, %lt3A : i32
      %and3A = arith.andi %ge3A_52, %lt3A_53 : i1
      %convert_element_type3A = arith.extui %and3A : i1 to i32
      %cond3A = arith.constant 0 : i32
      %cond3A_54 = arith.cmpi ne, %convert_element_type3A, %cond3A : i32
      scf.if %cond3A_54 {
        %dma_wait3A_156 = arith.constant 0 : i32
        %dma_wait3A_157 = tpu.memref_slice %arg4[%mul3A_2, %dma_wait3A_156] : memref<32768x2048xf32, #tpu.memory_space<hbm>> -> memref<8x2048xf32, #tpu.memory_space<hbm>>
        %dma_wait3A_158 = arith.constant 0 : i32
        %dma_wait3A_159 = tpu.memref_slice %arg4[%mul3A_2, %dma_wait3A_158] : memref<32768x2048xf32, #tpu.memory_space<hbm>> -> memref<8x2048xf32, #tpu.memory_space<hbm>>
        tpu.wait_dma2 semaphore(%arg16 : memref<!tpu.dma_semaphore, #tpu.memory_space<semaphore_mem>>) src(%arg8 : memref<8x2048xf32, #tpu.memory_space<vmem>>) dst(%dma_wait3A_159 : memref<8x2048xf32, #tpu.memory_space<hbm>>)
      } else {
      }
      %lt3A_55 = arith.constant 128 : i32
      %lt3A_56 = arith.cmpi slt, %add3A_51, %lt3A_55 : i32
      %convert_element_type3A_57 = arith.extui %lt3A_56 : i1 to i32
      %cond3A_58 = arith.constant 0 : i32
      %cond3A_59 = arith.cmpi ne, %convert_element_type3A_57, %cond3A_58 : i32
      scf.if %cond3A_59 {
        %mul3A_156 = arith.constant 8 : i32
        %mul3A_157 = arith.muli %add3A_51, %mul3A_156 : i32
        %dma_start3A_158 = tpu.memref_slice %arg5[%mul3A_157] : memref<1024xi32, #tpu.memory_space<vmem>> -> memref<8xi32, #tpu.memory_space<vmem>>
        %dma_start3A_159 = arith.constant 0 : i32
        %dma_start3A_160 = arith.constant 0 : i32
        %dma_start3A_161 = tpu.memref_slice %arg3[%dma_start3A_159, %dma_start3A_160] : memref<100000x2048xf32, #tpu.memory_space<hbm>> -> memref<100000x2048xf32, #tpu.memory_space<hbm>>
        tpu.enqueue_indirect_dma source(%dma_start3A_161 : memref<100000x2048xf32, #tpu.memory_space<hbm>>) target(%arg8 : memref<8x2048xf32, #tpu.memory_space<vmem>>) offsets(%dma_start3A_158 : memref<8xi32, #tpu.memory_space<vmem>>) semaphore(%arg12 : memref<!tpu.dma_semaphore, #tpu.memory_space<semaphore_mem>>)
      } else {
      }
      %mul3A_60 = arith.constant 4 : i32
      %mul3A_61 = arith.muli %scan3A_32, %mul3A_60 : i32
      %add3A_62 = arith.constant 1 : i32
      %add3A_63 = arith.addi %mul3A_61, %add3A_62 : i32
      %dma_wait3A_64 = arith.constant 0 : i32
      %dma_wait3A_65 = arith.constant 0 : i32
      %dma_wait3A_66 = tpu.memref_slice %arg3[%dma_wait3A_64, %dma_wait3A_65] : memref<100000x2048xf32, #tpu.memory_space<hbm>> -> memref<8x2048xf32, #tpu.memory_space<hbm>>
      %dma_wait3A_67 = arith.constant 0 : i32
      %dma_wait3A_68 = arith.constant 0 : i32
      %dma_wait3A_69 = tpu.memref_slice %arg3[%dma_wait3A_67, %dma_wait3A_68] : memref<100000x2048xf32, #tpu.memory_space<hbm>> -> memref<8x2048xf32, #tpu.memory_space<hbm>>
      tpu.wait_dma2 semaphore(%arg11 : memref<!tpu.dma_semaphore, #tpu.memory_space<semaphore_mem>>) src(%dma_wait3A_69 : memref<8x2048xf32, #tpu.memory_space<hbm>>) dst(%arg7 : memref<8x2048xf32, #tpu.memory_space<vmem>>)
      %mul3A_70 = arith.constant 8 : i32
      %mul3A_71 = arith.muli %add3A_63, %mul3A_70 : i32
      %add3A_72 = arith.addi %mul3A_2, %mul3A_71 : i32
      %dma_start3A_73 = arith.constant 0 : i32
      %dma_start3A_74 = tpu.memref_slice %arg4[%add3A_72, %dma_start3A_73] : memref<32768x2048xf32, #tpu.memory_space<hbm>> -> memref<8x2048xf32, #tpu.memory_space<hbm>>
      %dma_start3A_75 = arith.constant 0 : i32
      %dma_start3A_76 = tpu.memref_slice %arg4[%add3A_72, %dma_start3A_75] : memref<32768x2048xf32, #tpu.memory_space<hbm>> -> memref<8x2048xf32, #tpu.memory_space<hbm>>
      tpu.enqueue_dma source(%arg7 : memref<8x2048xf32, #tpu.memory_space<vmem>>) target(%dma_start3A_76 : memref<8x2048xf32, #tpu.memory_space<hbm>>) target_semaphore(%arg15 : memref<!tpu.dma_semaphore, #tpu.memory_space<semaphore_mem>>)
      %add3A_77 = arith.constant 2 : i32
      %add3A_78 = arith.addi %add3A_63, %add3A_77 : i32
      %ge3A_79 = arith.constant 4 : i32
      %ge3A_80 = arith.cmpi sge, %add3A_78, %ge3A_79 : i32
      %lt3A_81 = arith.constant 128 : i32
      %lt3A_82 = arith.cmpi slt, %add3A_78, %lt3A_81 : i32
      %and3A_83 = arith.andi %ge3A_80, %lt3A_82 : i1
      %convert_element_type3A_84 = arith.extui %and3A_83 : i1 to i32
      %cond3A_85 = arith.constant 0 : i32
      %cond3A_86 = arith.cmpi ne, %convert_element_type3A_84, %cond3A_85 : i32
      scf.if %cond3A_86 {
        %dma_wait3A_156 = arith.constant 0 : i32
        %dma_wait3A_157 = tpu.memref_slice %arg4[%mul3A_2, %dma_wait3A_156] : memref<32768x2048xf32, #tpu.memory_space<hbm>> -> memref<8x2048xf32, #tpu.memory_space<hbm>>
        %dma_wait3A_158 = arith.constant 0 : i32
        %dma_wait3A_159 = tpu.memref_slice %arg4[%mul3A_2, %dma_wait3A_158] : memref<32768x2048xf32, #tpu.memory_space<hbm>> -> memref<8x2048xf32, #tpu.memory_space<hbm>>
        tpu.wait_dma2 semaphore(%arg17 : memref<!tpu.dma_semaphore, #tpu.memory_space<semaphore_mem>>) src(%arg9 : memref<8x2048xf32, #tpu.memory_space<vmem>>) dst(%dma_wait3A_159 : memref<8x2048xf32, #tpu.memory_space<hbm>>)
      } else {
      }
      %lt3A_87 = arith.constant 128 : i32
      %lt3A_88 = arith.cmpi slt, %add3A_78, %lt3A_87 : i32
      %convert_element_type3A_89 = arith.extui %lt3A_88 : i1 to i32
      %cond3A_90 = arith.constant 0 : i32
      %cond3A_91 = arith.cmpi ne, %convert_element_type3A_89, %cond3A_90 : i32
      scf.if %cond3A_91 {
        %mul3A_156 = arith.constant 8 : i32
        %mul3A_157 = arith.muli %add3A_78, %mul3A_156 : i32
        %dma_start3A_158 = tpu.memref_slice %arg5[%mul3A_157] : memref<1024xi32, #tpu.memory_space<vmem>> -> memref<8xi32, #tpu.memory_space<vmem>>
        %dma_start3A_159 = arith.constant 0 : i32
        %dma_start3A_160 = arith.constant 0 : i32
        %dma_start3A_161 = tpu.memref_slice %arg3[%dma_start3A_159, %dma_start3A_160] : memref<100000x2048xf32, #tpu.memory_space<hbm>> -> memref<100000x2048xf32, #tpu.memory_space<hbm>>
        tpu.enqueue_indirect_dma source(%dma_start3A_161 : memref<100000x2048xf32, #tpu.memory_space<hbm>>) target(%arg9 : memref<8x2048xf32, #tpu.memory_space<vmem>>) offsets(%dma_start3A_158 : memref<8xi32, #tpu.memory_space<vmem>>) semaphore(%arg13 : memref<!tpu.dma_semaphore, #tpu.memory_space<semaphore_mem>>)
      } else {
      }
      %mul3A_92 = arith.constant 4 : i32
      %mul3A_93 = arith.muli %scan3A_32, %mul3A_92 : i32
      %add3A_94 = arith.constant 2 : i32
      %add3A_95 = arith.addi %mul3A_93, %add3A_94 : i32
      %dma_wait3A_96 = arith.constant 0 : i32
      %dma_wait3A_97 = arith.constant 0 : i32
      %dma_wait3A_98 = tpu.memref_slice %arg3[%dma_wait3A_96, %dma_wait3A_97] : memref<100000x2048xf32, #tpu.memory_space<hbm>> -> memref<8x2048xf32, #tpu.memory_space<hbm>>
      %dma_wait3A_99 = arith.constant 0 : i32
      %dma_wait3A_100 = arith.constant 0 : i32
      %dma_wait3A_101 = tpu.memref_slice %arg3[%dma_wait3A_99, %dma_wait3A_100] : memref<100000x2048xf32, #tpu.memory_space<hbm>> -> memref<8x2048xf32, #tpu.memory_space<hbm>>
      tpu.wait_dma2 semaphore(%arg12 : memref<!tpu.dma_semaphore, #tpu.memory_space<semaphore_mem>>) src(%dma_wait3A_101 : memref<8x2048xf32, #tpu.memory_space<hbm>>) dst(%arg8 : memref<8x2048xf32, #tpu.memory_space<vmem>>)
      %mul3A_102 = arith.constant 8 : i32
      %mul3A_103 = arith.muli %add3A_95, %mul3A_102 : i32
      %add3A_104 = arith.addi %mul3A_2, %mul3A_103 : i32
      %dma_start3A_105 = arith.constant 0 : i32
      %dma_start3A_106 = tpu.memref_slice %arg4[%add3A_104, %dma_start3A_105] : memref<32768x2048xf32, #tpu.memory_space<hbm>> -> memref<8x2048xf32, #tpu.memory_space<hbm>>
      %dma_start3A_107 = arith.constant 0 : i32
      %dma_start3A_108 = tpu.memref_slice %arg4[%add3A_104, %dma_start3A_107] : memref<32768x2048xf32, #tpu.memory_space<hbm>> -> memref<8x2048xf32, #tpu.memory_space<hbm>>
      tpu.enqueue_dma source(%arg8 : memref<8x2048xf32, #tpu.memory_space<vmem>>) target(%dma_start3A_108 : memref<8x2048xf32, #tpu.memory_space<hbm>>) target_semaphore(%arg16 : memref<!tpu.dma_semaphore, #tpu.memory_space<semaphore_mem>>)
      %add3A_109 = arith.constant 2 : i32
      %add3A_110 = arith.addi %add3A_95, %add3A_109 : i32
      %ge3A_111 = arith.constant 4 : i32
      %ge3A_112 = arith.cmpi sge, %add3A_110, %ge3A_111 : i32
      %lt3A_113 = arith.constant 128 : i32
      %lt3A_114 = arith.cmpi slt, %add3A_110, %lt3A_113 : i32
      %and3A_115 = arith.andi %ge3A_112, %lt3A_114 : i1
      %convert_element_type3A_116 = arith.extui %and3A_115 : i1 to i32
      %cond3A_117 = arith.constant 0 : i32
      %cond3A_118 = arith.cmpi ne, %convert_element_type3A_116, %cond3A_117 : i32
      scf.if %cond3A_118 {
        %dma_wait3A_156 = arith.constant 0 : i32
        %dma_wait3A_157 = tpu.memref_slice %arg4[%mul3A_2, %dma_wait3A_156] : memref<32768x2048xf32, #tpu.memory_space<hbm>> -> memref<8x2048xf32, #tpu.memory_space<hbm>>
        %dma_wait3A_158 = arith.constant 0 : i32
        %dma_wait3A_159 = tpu.memref_slice %arg4[%mul3A_2, %dma_wait3A_158] : memref<32768x2048xf32, #tpu.memory_space<hbm>> -> memref<8x2048xf32, #tpu.memory_space<hbm>>
        tpu.wait_dma2 semaphore(%arg14 : memref<!tpu.dma_semaphore, #tpu.memory_space<semaphore_mem>>) src(%arg6 : memref<8x2048xf32, #tpu.memory_space<vmem>>) dst(%dma_wait3A_159 : memref<8x2048xf32, #tpu.memory_space<hbm>>)
      } else {
      }
      %lt3A_119 = arith.constant 128 : i32
      %lt3A_120 = arith.cmpi slt, %add3A_110, %lt3A_119 : i32
      %convert_element_type3A_121 = arith.extui %lt3A_120 : i1 to i32
      %cond3A_122 = arith.constant 0 : i32
      %cond3A_123 = arith.cmpi ne, %convert_element_type3A_121, %cond3A_122 : i32
      scf.if %cond3A_123 {
        %mul3A_156 = arith.constant 8 : i32
        %mul3A_157 = arith.muli %add3A_110, %mul3A_156 : i32
        %dma_start3A_158 = tpu.memref_slice %arg5[%mul3A_157] : memref<1024xi32, #tpu.memory_space<vmem>> -> memref<8xi32, #tpu.memory_space<vmem>>
        %dma_start3A_159 = arith.constant 0 : i32
        %dma_start3A_160 = arith.constant 0 : i32
        %dma_start3A_161 = tpu.memref_slice %arg3[%dma_start3A_159, %dma_start3A_160] : memref<100000x2048xf32, #tpu.memory_space<hbm>> -> memref<100000x2048xf32, #tpu.memory_space<hbm>>
        tpu.enqueue_indirect_dma source(%dma_start3A_161 : memref<100000x2048xf32, #tpu.memory_space<hbm>>) target(%arg6 : memref<8x2048xf32, #tpu.memory_space<vmem>>) offsets(%dma_start3A_158 : memref<8xi32, #tpu.memory_space<vmem>>) semaphore(%arg10 : memref<!tpu.dma_semaphore, #tpu.memory_space<semaphore_mem>>)
      } else {
      }
      %mul3A_124 = arith.constant 4 : i32
      %mul3A_125 = arith.muli %scan3A_32, %mul3A_124 : i32
      %add3A_126 = arith.constant 3 : i32
      %add3A_127 = arith.addi %mul3A_125, %add3A_126 : i32
      %dma_wait3A_128 = arith.constant 0 : i32
      %dma_wait3A_129 = arith.constant 0 : i32
      %dma_wait3A_130 = tpu.memref_slice %arg3[%dma_wait3A_128, %dma_wait3A_129] : memref<100000x2048xf32, #tpu.memory_space<hbm>> -> memref<8x2048xf32, #tpu.memory_space<hbm>>
      %dma_wait3A_131 = arith.constant 0 : i32
      %dma_wait3A_132 = arith.constant 0 : i32
      %dma_wait3A_133 = tpu.memref_slice %arg3[%dma_wait3A_131, %dma_wait3A_132] : memref<100000x2048xf32, #tpu.memory_space<hbm>> -> memref<8x2048xf32, #tpu.memory_space<hbm>>
      tpu.wait_dma2 semaphore(%arg13 : memref<!tpu.dma_semaphore, #tpu.memory_space<semaphore_mem>>) src(%dma_wait3A_133 : memref<8x2048xf32, #tpu.memory_space<hbm>>) dst(%arg9 : memref<8x2048xf32, #tpu.memory_space<vmem>>)
      %mul3A_134 = arith.constant 8 : i32
      %mul3A_135 = arith.muli %add3A_127, %mul3A_134 : i32
      %add3A_136 = arith.addi %mul3A_2, %mul3A_135 : i32
      %dma_start3A_137 = arith.constant 0 : i32
      %dma_start3A_138 = tpu.memref_slice %arg4[%add3A_136, %dma_start3A_137] : memref<32768x2048xf32, #tpu.memory_space<hbm>> -> memref<8x2048xf32, #tpu.memory_space<hbm>>
      %dma_start3A_139 = arith.constant 0 : i32
      %dma_start3A_140 = tpu.memref_slice %arg4[%add3A_136, %dma_start3A_139] : memref<32768x2048xf32, #tpu.memory_space<hbm>> -> memref<8x2048xf32, #tpu.memory_space<hbm>>
      tpu.enqueue_dma source(%arg9 : memref<8x2048xf32, #tpu.memory_space<vmem>>) target(%dma_start3A_140 : memref<8x2048xf32, #tpu.memory_space<hbm>>) target_semaphore(%arg17 : memref<!tpu.dma_semaphore, #tpu.memory_space<semaphore_mem>>)
      %add3A_141 = arith.constant 2 : i32
      %add3A_142 = arith.addi %add3A_127, %add3A_141 : i32
      %ge3A_143 = arith.constant 4 : i32
      %ge3A_144 = arith.cmpi sge, %add3A_142, %ge3A_143 : i32
      %lt3A_145 = arith.constant 128 : i32
      %lt3A_146 = arith.cmpi slt, %add3A_142, %lt3A_145 : i32
      %and3A_147 = arith.andi %ge3A_144, %lt3A_146 : i1
      %convert_element_type3A_148 = arith.extui %and3A_147 : i1 to i32
      %cond3A_149 = arith.constant 0 : i32
      %cond3A_150 = arith.cmpi ne, %convert_element_type3A_148, %cond3A_149 : i32
      scf.if %cond3A_150 {
        %dma_wait3A_156 = arith.constant 0 : i32
        %dma_wait3A_157 = tpu.memref_slice %arg4[%mul3A_2, %dma_wait3A_156] : memref<32768x2048xf32, #tpu.memory_space<hbm>> -> memref<8x2048xf32, #tpu.memory_space<hbm>>
        %dma_wait3A_158 = arith.constant 0 : i32
        %dma_wait3A_159 = tpu.memref_slice %arg4[%mul3A_2, %dma_wait3A_158] : memref<32768x2048xf32, #tpu.memory_space<hbm>> -> memref<8x2048xf32, #tpu.memory_space<hbm>>
        tpu.wait_dma2 semaphore(%arg15 : memref<!tpu.dma_semaphore, #tpu.memory_space<semaphore_mem>>) src(%arg7 : memref<8x2048xf32, #tpu.memory_space<vmem>>) dst(%dma_wait3A_159 : memref<8x2048xf32, #tpu.memory_space<hbm>>)
      } else {
      }
      %lt3A_151 = arith.constant 128 : i32
      %lt3A_152 = arith.cmpi slt, %add3A_142, %lt3A_151 : i32
      %convert_element_type3A_153 = arith.extui %lt3A_152 : i1 to i32
      %cond3A_154 = arith.constant 0 : i32
      %cond3A_155 = arith.cmpi ne, %convert_element_type3A_153, %cond3A_154 : i32
      scf.if %cond3A_155 {
        %mul3A_156 = arith.constant 8 : i32
        %mul3A_157 = arith.muli %add3A_142, %mul3A_156 : i32
        %dma_start3A_158 = tpu.memref_slice %arg5[%mul3A_157] : memref<1024xi32, #tpu.memory_space<vmem>> -> memref<8xi32, #tpu.memory_space<vmem>>
        %dma_start3A_159 = arith.constant 0 : i32
        %dma_start3A_160 = arith.constant 0 : i32
        %dma_start3A_161 = tpu.memref_slice %arg3[%dma_start3A_159, %dma_start3A_160] : memref<100000x2048xf32, #tpu.memory_space<hbm>> -> memref<100000x2048xf32, #tpu.memory_space<hbm>>
        tpu.enqueue_indirect_dma source(%dma_start3A_161 : memref<100000x2048xf32, #tpu.memory_space<hbm>>) target(%arg7 : memref<8x2048xf32, #tpu.memory_space<vmem>>) offsets(%dma_start3A_158 : memref<8xi32, #tpu.memory_space<vmem>>) semaphore(%arg11 : memref<!tpu.dma_semaphore, #tpu.memory_space<semaphore_mem>>)
      } else {
      }
    }
    %scan3A_16 = arith.constant 32 : i32
    %dma_wait3A = arith.constant 0 : i32
    %dma_wait3A_17 = tpu.memref_slice %arg4[%mul3A_2, %dma_wait3A] : memref<32768x2048xf32, #tpu.memory_space<hbm>> -> memref<8x2048xf32, #tpu.memory_space<hbm>>
    %dma_wait3A_18 = arith.constant 0 : i32
    %dma_wait3A_19 = tpu.memref_slice %arg4[%mul3A_2, %dma_wait3A_18] : memref<32768x2048xf32, #tpu.memory_space<hbm>> -> memref<8x2048xf32, #tpu.memory_space<hbm>>
    tpu.wait_dma2 semaphore(%arg14 : memref<!tpu.dma_semaphore, #tpu.memory_space<semaphore_mem>>) src(%arg6 : memref<8x2048xf32, #tpu.memory_space<vmem>>) dst(%dma_wait3A_19 : memref<8x2048xf32, #tpu.memory_space<hbm>>)
    %dma_wait3A_20 = arith.constant 0 : i32
    %dma_wait3A_21 = tpu.memref_slice %arg4[%mul3A_2, %dma_wait3A_20] : memref<32768x2048xf32, #tpu.memory_space<hbm>> -> memref<8x2048xf32, #tpu.memory_space<hbm>>
    %dma_wait3A_22 = arith.constant 0 : i32
    %dma_wait3A_23 = tpu.memref_slice %arg4[%mul3A_2, %dma_wait3A_22] : memref<32768x2048xf32, #tpu.memory_space<hbm>> -> memref<8x2048xf32, #tpu.memory_space<hbm>>
    tpu.wait_dma2 semaphore(%arg15 : memref<!tpu.dma_semaphore, #tpu.memory_space<semaphore_mem>>) src(%arg7 : memref<8x2048xf32, #tpu.memory_space<vmem>>) dst(%dma_wait3A_23 : memref<8x2048xf32, #tpu.memory_space<hbm>>)
    %dma_wait3A_24 = arith.constant 0 : i32
    %dma_wait3A_25 = tpu.memref_slice %arg4[%mul3A_2, %dma_wait3A_24] : memref<32768x2048xf32, #tpu.memory_space<hbm>> -> memref<8x2048xf32, #tpu.memory_space<hbm>>
    %dma_wait3A_26 = arith.constant 0 : i32
    %dma_wait3A_27 = tpu.memref_slice %arg4[%mul3A_2, %dma_wait3A_26] : memref<32768x2048xf32, #tpu.memory_space<hbm>> -> memref<8x2048xf32, #tpu.memory_space<hbm>>
    tpu.wait_dma2 semaphore(%arg16 : memref<!tpu.dma_semaphore, #tpu.memory_space<semaphore_mem>>) src(%arg8 : memref<8x2048xf32, #tpu.memory_space<vmem>>) dst(%dma_wait3A_27 : memref<8x2048xf32, #tpu.memory_space<hbm>>)
    %dma_wait3A_28 = arith.constant 0 : i32
    %dma_wait3A_29 = tpu.memref_slice %arg4[%mul3A_2, %dma_wait3A_28] : memref<32768x2048xf32, #tpu.memory_space<hbm>> -> memref<8x2048xf32, #tpu.memory_space<hbm>>
    %dma_wait3A_30 = arith.constant 0 : i32
    %dma_wait3A_31 = tpu.memref_slice %arg4[%mul3A_2, %dma_wait3A_30] : memref<32768x2048xf32, #tpu.memory_space<hbm>> -> memref<8x2048xf32, #tpu.memory_space<hbm>>
    tpu.wait_dma2 semaphore(%arg17 : memref<!tpu.dma_semaphore, #tpu.memory_space<semaphore_mem>>) src(%arg9 : memref<8x2048xf32, #tpu.memory_space<vmem>>) dst(%dma_wait3A_31 : memref<8x2048xf32, #tpu.memory_space<hbm>>)
    return
  }
}

</mosaic_0001>

<sc_bundles>
// kernel: kernel.3.cloned.1.call-start
scs
__scs_entry_jumppad:
0x0: {  	(pc) =	sbr.rel $0x88, $3  }
0x1: {  	(tag) =	ssettag $0x0;
	lr =	simm.s32 $0x1  }
0x2: {  	[smem:$0x3F9F] =	sst lr;
	_ =	strace $0xD0000000  }
0x3: {  	_ = 	snop  }
0x4: {  	_ = 	snop  }
0x5: {  	_ = 	snop  }
0x6: {  	_ = 	snop  }
0x7: {  	_ = 	snop  }
__scs_overlays_trampoline_lowered:
0x8: {  	[smem:$0x3FAE] =	sst s0  }
0x9: {  	[smem:$0x3FAF] =	sst s1  }
0xa: {  	[smem:$0x3FB0] =	sst s2  }
0xb: {  	[smem:$0x3FB1] =	sst s3  }
0xc: {  	[smem:$0x3FB2] =	sst s4  }
0xd: {  	[smem:$0x3FB3] =	sst s5  }
0xe: {  	[smem:$0x3FB4] =	sst s6  }
0xf: {  	[smem:$0x3FB5] =	sst s7  }
0x10: {  	[smem:$0x3FB6] =	sst s8  }
0x11: {  	[smem:$0x3FB7] =	sst s9;
	s0 =	simm.s32 @!p0 $0x0  }
0x12: {  	s1 =	sld [smem:$0x3F9D];
	s0 =	simm.s32 @p0 $0x1  }
0x13: {  	[smem:$0x3FB8] =	sst s0;
	s0 =	simm.s32 @!p1 $0x0  }
0x14: {  	s2 =	sld [smem:$0x3F9C];
	s0 =	simm.s32 @p1 $0x1  }
0x15: {  	[smem:$0x3FB9] =	sst s0;
	s0 =	simm.s32 @!p2 $0x0  }
0x16: {  	s3 =	sld [smem:$0x3FDB];
	s0 =	simm.s32 @p2 $0x1  }
0x17: {  	s4 =	simm.s32 $0x1BF5;
	[smem:$0x3FBB] =	sst s0  }
0x18: {  	s0 =	sld [smem:$0x3F9E];
	_ =	swait.ge [sflag:s4], $0x0  }
0x19: {  	s7 =	sld [smem:$0x3F9F]  }
0x1a: {  	s8 =	sadd.s32 $0xFFFFE003, lr  }
0x1b: {  	s9 =	sadd.s32 $0xFFFFFEF7, lr;
	s5 =	simm.s32 $0xFFFFFFFF;
	p2 =	slt.u32 s8, $0xFFFFF086  }
0x1c: {  	p1 =	slt.u32 s9, $0xF7A;
	s5 =	simm.s32 @!p2 $0x0  }
0x1d: {  	s5 =	simm.s32 @p1 $0x1;
	p0 =	seq.s32 s7, s2  }
0x1e: {  	s7 =	smul.u32 @!p0 $0xF7A, s2;
	p2 =	seq.s32 @!p0 s5, $0x0  }
0x1f: {  	s9 =	smul.u32 $0xF7A, s1;
	s8 =	simm.s32 @!p0 $0x1BF5;
	p2 =	por !p2, p0  }
0x20: {  	[sflag:s8] =	ssyncset.s32 @!p0 $0xFFFFF086;
	s6 =	sadd.s32 @!p0 s3, s7;
	s7 =	simm.s32 @!p0 $0x108  }
0x21: {  	s3 =	sadd.s32 s3, s9;
	s6 =	sadd.s32 @!p0 $0x88, s6;
	s7 =	simm.s32 @p2 $0x1082  }
0x22: {  	[simem:s7], [sflag:s8] =	dma.local @!p0 [hbm:s6], $0xF7A  }
0x23: {  	s9 =	sor.u32 $0xD0000000, s2;
	s6 =	simm.s32 $0x108;
	_ =	swait.ge @!p0 [sflag:s8], $0x0  }
0x24: {  	s3 =	sadd.s32 $0x88, s3;
	s6 =	simm.s32 @!p1 $0x1082;
	[sflag:s4] =	ssyncset.s32 $0xFFFFF086  }
0x25: {  	[simem:s6], [sflag:s4] =	dma.local [hbm:s3], $0xF7A  }
0x26: {  	[smem:$0x3F9F] =	sst s1;
	(tag) =	ssettag s2;
	_ =	strace s9  }
0x27: {  	s1 =	sld [smem:$0x3FAF]  }
0x28: {  	s2 =	sld [smem:$0x3FB0]  }
0x29: {  	s4 =	sld [smem:$0x3FB2]  }
0x2a: {  	p0 =	seq.s32 s5, $0x0;
	s5 =	sld [smem:$0x3FB3]  }
0x2b: {  	s6 =	sld [smem:$0x3FB4]  }
0x2c: {  	s7 =	sld [smem:$0x3FB5]  }
0x2d: {  	s3 =	simm.s32 $0x108;
	s8 =	sld [smem:$0x3FB6]  }
0x2e: {  	s3 =	simm.s32 @!p0 $0x1082;
	s9 =	sld [smem:$0x3FB7]  }
0x2f: {  	lr =	sadd.s32 s0, s3;
	s0 =	sld [smem:$0x3FAE]  }
0x30: {  	s3 =	sld [smem:$0x3FB1]  }
0x31: {  	[smem:$0x3FBA] =	sst s10  }
0x32: {  	s10 =	sld [smem:$0x3FB8];
	_ =	sdelay $0x3  }
0x33: {  	p0 =	seq.s32 s10, $0x1;
	s10 =	sld [smem:$0x3FBA];
	_ =	sdelay $0x3  }
0x34: {  	[smem:$0x3FBA] =	sst s10  }
0x35: {  	s10 =	sld [smem:$0x3FB9];
	_ =	sdelay $0x3  }
0x36: {  	p1 =	seq.s32 s10, $0x1;
	s10 =	sld [smem:$0x3FBA];
	_ =	sdelay $0x3  }
0x37: {  	[smem:$0x3FBA] =	sst s10  }
0x38: {  	s10 =	sld [smem:$0x3FBB]  }
0x39: {  	_ = 	snop;
	(pc) =	sbr.ind lr, $3  }
0x3a: {  	_ = 	snop  }
0x3b: {  	_ = 	snop  }
0x3c: {  	p2 =	seq.s32 s10, $0x1;
	s10 =	sld [smem:$0x3FBA]  }
0x3d: {  	_ =	shalt  }
0x3e: {  	_ =	shalt  }
0x3f: {  	_ =	shalt  }
0x40: {  	_ =	shalt  }
0x41: {  	_ =	shalt  }
0x42: {  	_ =	shalt  }
0x43: {  	_ =	shalt  }
0x44: {  	_ =	shalt  }
0x45: {  	_ =	shalt  }
0x46: {  	_ =	shalt  }
0x47: {  	_ =	shalt  }
0x48: {  	_ =	shalt  }
0x49: {  	_ =	shalt  }
0x4a: {  	_ =	shalt  }
0x4b: {  	_ =	shalt  }
0x4c: {  	_ =	shalt  }
0x4d: {  	_ =	shalt  }
0x4e: {  	_ =	shalt  }
0x4f: {  	_ =	shalt  }
0x50: {  	_ =	shalt  }
0x51: {  	_ =	shalt  }
0x52: {  	_ =	shalt  }
0x53: {  	_ =	shalt  }
0x54: {  	_ =	shalt  }
0x55: {  	_ =	shalt  }
0x56: {  	_ =	shalt  }
0x57: {  	_ =	shalt  }
0x58: {  	_ =	shalt  }
0x59: {  	_ =	shalt  }
0x5a: {  	_ =	shalt  }
0x5b: {  	_ =	shalt  }
0x5c: {  	_ =	shalt  }
0x5d: {  	_ =	shalt  }
0x5e: {  	_ =	shalt  }
0x5f: {  	_ =	shalt  }
0x60: {  	_ =	shalt  }
0x61: {  	_ =	shalt  }
0x62: {  	_ =	shalt  }
0x63: {  	_ =	shalt  }
0x64: {  	_ =	shalt  }
0x65: {  	_ =	shalt  }
0x66: {  	_ =	shalt  }
0x67: {  	_ =	shalt  }
0x68: {  	_ =	shalt  }
0x69: {  	_ =	shalt  }
0x6a: {  	_ =	shalt  }
0x6b: {  	_ =	shalt  }
0x6c: {  	_ =	shalt  }
0x6d: {  	_ =	shalt  }
0x6e: {  	_ =	shalt  }
0x6f: {  	_ =	shalt  }
0x70: {  	_ =	shalt  }
0x71: {  	_ =	shalt  }
0x72: {  	_ =	shalt  }
0x73: {  	_ =	shalt  }
0x74: {  	_ =	shalt  }
0x75: {  	_ =	shalt  }
0x76: {  	_ =	shalt  }
0x77: {  	_ =	shalt  }
0x78: {  	_ =	shalt  }
0x79: {  	_ =	shalt  }
0x7a: {  	_ =	shalt  }
0x7b: {  	_ =	shalt  }
0x7c: {  	_ =	shalt  }
0x7d: {  	_ =	shalt  }
0x7e: {  	_ =	shalt  }
0x7f: {  	_ =	shalt  }
0x80: {  	_ =	shalt  }
0x81: {  	_ =	shalt  }
0x82: {  	_ =	shalt  }
0x83: {  	_ =	shalt  }
0x84: {  	_ =	shalt  }
0x85: {  	_ =	shalt  }
0x86: {  	_ =	shalt  }
0x87: {  	_ =	shalt  }
.Lfunc_end0:
.L_simem_size_0:
called_computation_lowered:
.L_overlay_start_0:
0x88: {  	s2 =	sld [smem:$0x3FD9]  }
0x89: {  	s3 =	sld [smem:$0x3FFE];
	_ =	sdelay $0x1  }
0x8a: {  	s1 =	srdreg.scid  }
0x8b: {  	s0 =	sand.u32 $0x1, s1  }
0x8c: {  	s17 =	sshll.u32 s0, $0xA;
	s2 =	sadd.s32 s3, s2  }
0x8d: {  	s2 =	sadd.s32 s2, s17  }
0x8e: {  	[smem:$0x3FC6] =	sst s2  }
0x8f: {  	_ = 	snop  }
0x90: {  	s2 =	sld [smem:$0x3FC8]  }
0x91: {  	s18 =	sld [smem:$0x3FD0];
	(tm) =	ssettm $0x1  }
0x92: {  	s4 =	sld [smem:$0x3FFB];
	_ =	sdelay $0x3  }
0x93: {  	_ =	strace s4  }
0x94: {  	s4 =	sld [smem:$0x3FFC];
	_ =	sdelay $0x3  }
0x95: {  	_ =	strace s4  }
0x96: {  	s4 =	sld [smem:$0x3FFD];
	_ =	sdelay $0x3  }
0x97: {  	_ =	strace s4  }
0x98: {  	_ =	strace $0x8FFFFFFF  }
0x99: {  	s19 =	sld [smem:$0x3FDB];
	_ =	sdelay $0x1  }
0x9a: {  	s5 =	simm.s32 $_scs_section_size  }
0x9b: {  	s6 =	simm.s32 $_size__tile_overlayer_lowered;
	s7 =	simm.s32 $_tile_overlayer_lowered  }
0x9c: {  	s22 =	simm.s32 $0x1BFF;
	s21 =	sshll.u32 s7, $0x1;
	s4 =	sadd.s32 s5, s19  }
0x9d: {  	s8 =	simm.s32 $0x0;
	s20 =	sshll.u32 s6, $0x1;
	s6 =	sadd.s32 s21, s4  }
0x9e: {  	[timem:s8], [sflag:s22] =	dma.local [hbm:s6], s20  }
0x9f: {  	_ =	swait.ge [sflag:s22], s20  }
0xa0: {  	s5 =	ssub.s32 $0x0, s20;
	[sflag:s22] =	ssyncset.done $0x0  }
0xa1: {  	[sflag:s22] =	ssyncadd.s32 s5;
	_ =	sdelay $0x1  }
0xa2: {  	s23 =	simm.s32 $0x1B8B  }
0xa3: {  	_ =	swait.ge [sflag:s23], $0x1  }
0xa4: {  	[sflag:s23] =	ssyncset.done $0x0  }
0xa5: {  	s25 =	simm.s32 $0x1B8E;
	s24 =	sld [smem:$0x3FFE];
	[sflag:s23] =	ssyncadd.s32 $0xFFFFFFFF  }
0xa6: {  	s26 =	simm.s32 $execute0_lowered;
	[smem:$0x3FD2] =	sst s25  }
0xa7: {  	s6 =	sshll.u32 s26, $0x1;
	_ =	strace $0x80000046;
	[dreg:$0x1] =	wrdreg $0xFFFFFFFF  }
0xa8: {  	s28 =	simm.s32 $_size_execute0_lowered;
	s4 =	sadd.s32 s4, s6;
	[dreg:$0x0] =	wrdreg $0x0  }
0xa9: {  	s6 =	sshll.u32 s28, $0x1;
	[dreg:$0x2] =	wrdreg s4  }
0xaa: {  	[dreg:$0x3] =	wrdreg s6  }
0xab: {  	[dreg:$0x4] =	wrdreg $0xC0  }
0xac: {  	_ =	task [dreg:s8], $0x5FFFF  }
0xad: {  	[dreg:$0x1] =	wrdreg $0xFFFFFFFF  }
0xae: {  	[dreg:$0x0] =	wrdreg $0x60  }
0xaf: {  	[dreg:$0x2] =	wrdreg s24  }
0xb0: {  	[dreg:$0x3] =	wrdreg s2  }
0xb1: {  	[dreg:$0x4] =	wrdreg s18  }
0xb2: {  	[dreg:$0x5] =	wrdreg $0x9  }
0xb3: {  	_ =	task.clear_ibuf [dreg:s8], $0x6FFFF;
	_ =	strace $0x90000046  }
0xb4: {  	s29 =	simm.s32 $0x9;
	_ =	strace $0x80000048  }
0xb5: {  	_ =	swait.ge [sflag:s29], $0x1  }
0xb6: {  	[sflag:s29] =	ssyncadd.s32 $0xFFFFFFFF  }
0xb7: {  	_ =	strace $0x90000048  }
0xb8: {  	_ =	sfence  }
0xb9: {  	s30 =	sld [smem:$0x0];
	_ =	sdelay $0x2  }
0xba: {  	s31 =	sshll.u32 s1, $0xD;
	s1 =	sshrl.u32 s1, $0x2  }
0xbb: {  	s3 =	sand.u32 $0x4000, s31;
	s1 =	sadd.s32 s1, s30  }
0xbc: {  	s0 =	sor.u32 s3, s0;
	s1 =	sshll.u32 s1, $0x11  }
0xbd: {  	s0 =	sor.u32 s1, s0  }
0xbe: {  	s0 =	sadd.s32 $0x8F2B, s0  }
0xbf: {  	[sflag:s0] =	ssyncadd.remote.s32 $0x1  }
0xc0: {  	_ =	sfence.sel $0xFFFF  }
0xc1: {  	[dreg:$0x0] =	wrdreg $0xFFFFFFFF;
	(pc) =	sbr.abs _section_cstart, $3  }
0xc2: {  	[dreg:$0x1] =	wrdreg $0xFFFFFFFF  }
0xc3: {  	_ =	task.clear_ibuf [dreg:s8], $0x2FFFF;
	_ =	strace $0x9FFFFFFF  }
0xc4: {  	(tm) =	ssettm $0x7FFFFFFF  }
0xc5: {  	_ =	shalt  }
tec
execute0_lowered:
.L_overlay_start_1:
0x0: {  	(tag) =	ssettag $0x1  }
0x1: {  	s0 =	rddreg [dreg:$0x0]  }
0x2: {  	s2 =	rddreg [dreg:$0x1];
	s1 =	srdreg.scid  }
0x3: {  	s4 =	rddreg [dreg:$0x2];
	s14 =	stileid.u32;
	s3 =	simm.s32 $0x0  }
0x4: {  	s18 =	simm.s32 $0x400;
	s28 =	simm.s32 $0xC400;
	s17 =	simm.s32 $0xFC00  }
0x5: {  	s19 =	simm.s32 $0x3;
	s20 =	simm.s32 $0x4;
	s21 =	simm.s32 $0x5  }
0x6: {  	s22 =	simm.s32 $0x6;
	s29 =	simm.s32 $0x0;
	s1 =	sand.u32 $0x1, s1  }
0x7: {  	s5 =	sshll.u32 s14, $0xB;
	[smem:$0x7FF] =	sst s3;
	s8 =	sadd.s32 $0x400, s2  }
0x8: {  	s9 =	sadd.s32 $0x500, s2;
	s10 =	sadd.s32 $0x600, s2;
	s11 =	sadd.s32 $0x700, s2  }
0x9: {  	s30 =	sshll.u32 s14, $0x13;
	s6 =	sshll.u32 s1, $0xA;
	s24 =	ssub.s32 $0x2, s1  }
0xa: {  	_ =	strace $0x80000047;
	s1 =	sshll.u32 s1, $0x12;
	s12 =	sor.u32 s6, s5  }
0xb: {  	s7 =	sshrl.u32 s24, $0x1;
	s5 =	sadd.s32 $0x100, s2;
	s6 =	sshrl.u32 s12, $0x3  }
0xc: {  	s13 =	ssub.s32 s24, s7;
	s7 =	sadd.s32 $0x300, s2;
	s25 =	sshll.u32 s12, $0x8  }
0xd: {  	s12 =	simm.s32 $0x1;
	s0 =	sadd.s32 s6, s0;
	s6 =	sadd.s32 $0x200, s2  }
0xe: {  	s26 =	smax.u32 s13, $0x1;
	s13 =	simm.s32 $0x8400;
	s0 =	sadd.s32 $0x400, s0  }
.Ltmp0:
0xf: {  	[dreg:$0x5] =	wrdreg s26;
	s26 =	simm.s32 $0x4400;
	(pc) =	sbr.rel .LBB2_1-.Ltmp0, $4  }
0x10: {  	[dreg:$0x4] =	wrdreg s0;
	s0 =	sadd.s32 s25, s4;
	s4 =	sadd.s32 s30, s4  }
0x11: {  	v0 =	vlaneseq.u32;
	s25 =	simm.s32 $0x2;
	s31 =	sadd.s32 $0x3F800, s0;
	s14 =	sadd.s32 s1, s4  }
0x12: {  	v1 =	vshrl.u32 v0, $0x3;
	s15 =	sadd.s32 $0x1800, s0;
	s16 =	sadd.s32 $0x1000, s0;
	s0 =	simm.s32 $0xE400  }
0x13: {  	vm0 =	vmmov $0xffff;
	v0 =	vand.u32 $0x7, v0;
	v1 =	vmul.u32 $0x8, v1;
	s1 =	simm.s32 $0xEC00;
	s4 =	simm.s32 $0xF400;
	[dreg:$0x6] =	wrdreg s31  }
.LBB2_4:
0x14: {  	_ =	swait.ge [sflag:s20], $0x4000  }
0x15: {  	[sflag:s20] =	ssyncset.done $0x0  }
0x16: {  	s23 =	rddreg [dreg:$0x6];
	[sflag:s20] =	ssyncadd.s32 $0xFFFFC000  }
0x17: {  	[hbm4b:s23+s3] =	stream.linear.scatter [tilespmem:s28], [sflag:$0x8], $0x4000, $0x38;
	[tilespmem:$0x10400] =	vst v63  }
0x18: {  	_ =	swait.ge [sflag:s21], $0x4000  }
0x19: {  	[sflag:s21] =	ssyncset.done $0x0  }
0x1a: {  	[sflag:s21] =	ssyncadd.s32 $0xFFFFC000  }
0x1b: {  	_ =	swait.ge [sflag:s22], $0x4000  }
0x1c: {  	[sflag:s22] =	ssyncset.done $0x0  }
0x1d: {  	s30 =	simm.s32 $0x7;
	[sflag:s22] =	ssyncadd.s32 $0xFFFFC000  }
0x1e: {  	_ =	swait.ge [sflag:s30], $0x4000  }
0x1f: {  	[sflag:s30] =	ssyncset.done $0x0  }
0x20: {  	s24 =	simm.s32 $0x8;
	[sflag:s30] =	ssyncadd.s32 $0xFFFFC000  }
0x21: {  	_ =	swait.ge [sflag:s24], $0x4000  }
0x22: {  	s29 =	rddreg [dreg:$0x7]  }
0x23: {  	s31 =	rddreg [dreg:$0x5];
	s29 =	sadd.s32 $0x1, s29  }
0x24: {  	p0 =	sne.s32 s29, s31  }
.Ltmp1:
0x25: {  	_ = 	snop;
	(pc) =	sbr.rel @!p0 .LBB2_5-.Ltmp1, $3  }
0x26: {  	_ =	sdelay $0x1  }
0x27: {  	[sflag:s24] =	ssyncset.done $0x0  }
0x28: {  	[sflag:s24] =	ssyncadd.s32 $0xFFFFC000  }
.LBB2_1:
0x29: {  	[dreg:$0x7] =	wrdreg s29  }
0x2a: {  	s23 =	rddreg [dreg:$0x4];
	s24 =	simm.s32 $0x9  }
0x2b: {  	[tilespmem:s3], [sflag:$0x9] =	stream.linear.gather [hbm4b:s23+s3], $0x400, $0x38;
	[tilespmem:$0x10400] =	vst v63  }
0x2c: {  	_ =	swait.ge [sflag:s24], $0x400  }
0x2d: {  	[sflag:s24] =	ssyncset.done $0x0  }
0x2e: {  	[sflag:s24] =	ssyncadd.s32 $0xFFFFFC00  }
0x2f: {  	v2 =	vld.msk [tilespmem:$0x0], $0xff;
	_ =	sdelay $0x4  }
0x30: {  	v3 =	vshll.u32 v2, $0x4  }
0x31: {  	v2 =	vand.u32 $0x7, v2;
	v3 =	vand.u32 $0xFFFFFF80, v3  }
0x32: {  	v2 =	vor.u32 v2, v3  }
0x33: {  	v2 =	vperm.xlane v2, v0;
	_ =	sdelay $0x1  }
0x34: {  	v2 =	vadd.s32 v1, v2;
	_ =	sdelay $0x4  }
0x35: {  	[tilespmem:s18], [sflag:$0x1] =	stream.indirect_vreg.gather [hbm4b:s2+s3], $0x80, v2, vm0, $0xb8;
	[tilespmem:$0x10400] =	vst v63  }
0x36: {  	s30 =	simm.s32 $0xC00  }
0x37: {  	[tilespmem:s30], [sflag:$0x1] =	stream.indirect_vreg.gather [hbm4b:s5+s3], $0x80, v2, vm0, $0xb8;
	[tilespmem:$0x10400] =	vst v63  }
0x38: {  	s31 =	simm.s32 $0x1400  }
0x39: {  	[tilespmem:s31], [sflag:$0x1] =	stream.indirect_vreg.gather [hbm4b:s6+s3], $0x80, v2, vm0, $0xb8;
	[tilespmem:$0x10400] =	vst v63  }
0x3a: {  	s24 =	simm.s32 $0x1C00  }
0x3b: {  	[tilespmem:s24], [sflag:$0x1] =	stream.indirect_vreg.gather [hbm4b:s7+s3], $0x80, v2, vm0, $0xb8;
	[tilespmem:$0x10400] =	vst v63  }
0x3c: {  	s30 =	simm.s32 $0x2400  }
0x3d: {  	[tilespmem:s30], [sflag:$0x1] =	stream.indirect_vreg.gather [hbm4b:s8+s3], $0x80, v2, vm0, $0xb8;
	[tilespmem:$0x10400] =	vst v63  }
0x3e: {  	s31 =	simm.s32 $0x2C00  }
0x3f: {  	[tilespmem:s31], [sflag:$0x1] =	stream.indirect_vreg.gather [hbm4b:s9+s3], $0x80, v2, vm0, $0xb8;
	[tilespmem:$0x10400] =	vst v63  }
0x40: {  	s24 =	simm.s32 $0x3400  }
0x41: {  	[tilespmem:s24], [sflag:$0x1] =	stream.indirect_vreg.gather [hbm4b:s10+s3], $0x80, v2, vm0, $0xb8;
	[tilespmem:$0x10400] =	vst v63  }
0x42: {  	s30 =	simm.s32 $0x3C00  }
0x43: {  	[tilespmem:s30], [sflag:$0x1] =	stream.indirect_vreg.gather [hbm4b:s11+s3], $0x80, v2, vm0, $0xb8;
	[tilespmem:$0x10400] =	vst v63  }
0x44: {  	v2 =	vld.msk [tilespmem:$0x8], $0xff;
	_ =	sdelay $0x4  }
0x45: {  	v3 =	vshll.u32 v2, $0x4  }
0x46: {  	v2 =	vand.u32 $0x7, v2;
	v3 =	vand.u32 $0xFFFFFF80, v3  }
0x47: {  	v2 =	vor.u32 v2, v3  }
0x48: {  	v2 =	vperm.xlane v2, v0;
	_ =	sdelay $0x1  }
0x49: {  	v2 =	vadd.s32 v1, v2;
	_ =	sdelay $0x4  }
0x4a: {  	[tilespmem:s26], [sflag:$0x2] =	stream.indirect_vreg.gather [hbm4b:s2+s3], $0x80, v2, vm0, $0xb8;
	[tilespmem:$0x10400] =	vst v63  }
0x4b: {  	s31 =	simm.s32 $0x4C00  }
0x4c: {  	[tilespmem:s31], [sflag:$0x2] =	stream.indirect_vreg.gather [hbm4b:s5+s3], $0x80, v2, vm0, $0xb8;
	[tilespmem:$0x10400] =	vst v63  }
0x4d: {  	s24 =	simm.s32 $0x5400  }
0x4e: {  	[tilespmem:s24], [sflag:$0x2] =	stream.indirect_vreg.gather [hbm4b:s6+s3], $0x80, v2, vm0, $0xb8;
	[tilespmem:$0x10400] =	vst v63  }
0x4f: {  	s30 =	simm.s32 $0x5C00  }
0x50: {  	[tilespmem:s30], [sflag:$0x2] =	stream.indirect_vreg.gather [hbm4b:s7+s3], $0x80, v2, vm0, $0xb8;
	[tilespmem:$0x10400] =	vst v63  }
0x51: {  	s31 =	simm.s32 $0x6400  }
0x52: {  	[tilespmem:s31], [sflag:$0x2] =	stream.indirect_vreg.gather [hbm4b:s8+s3], $0x80, v2, vm0, $0xb8;
	[tilespmem:$0x10400] =	vst v63  }
0x53: {  	s24 =	simm.s32 $0x6C00  }
0x54: {  	[tilespmem:s24], [sflag:$0x2] =	stream.indirect_vreg.gather [hbm4b:s9+s3], $0x80, v2, vm0, $0xb8;
	[tilespmem:$0x10400] =	vst v63  }
0x55: {  	s29 =	simm.s32 $0x0;
	s30 =	simm.s32 $0x7400  }
0x56: {  	[tilespmem:s30], [sflag:$0x2] =	stream.indirect_vreg.gather [hbm4b:s10+s3], $0x80, v2, vm0, $0xb8;
	[tilespmem:$0x10400] =	vst v63  }
0x57: {  	s23 =	simm.s32 $0x18;
	s31 =	simm.s32 $0x7C00;
	s24 =	simm.s32 $0xFFFFFFFC  }
0x58: {  	[tilespmem:s31], [sflag:$0x2] =	stream.indirect_vreg.gather [hbm4b:s11+s3], $0x80, v2, vm0, $0xb8;
	[tilespmem:$0x10400] =	vst v63  }
.LBB2_2:
0x59: {  	_ =	swait.ge [sflag:s12], $0x4000  }
0x5a: {  	p0 =	sgt.u32 s24, $0x7B;
	[sflag:s12] =	ssyncset.done $0x0  }
0x5b: {  	s30 =	sadd.s32 s29, s14;
	s31 =	simm.s32 @!p0 $0x7;
	[sflag:s12] =	ssyncadd.s32 $0xFFFFC000  }
0x5c: {  	[hbm4b:s30+s3] =	stream.linear.scatter [tilespmem:s18], [sflag:$0x5], $0x4000, $0x38;
	[tilespmem:$0x10400] =	vst v63  }
0x5d: {  	_ =	swait.ge @!p0 [sflag:s31], $0x4000  }
0x5e: {  	[sflag:s31] =	ssyncset.done @!p0 $0x0  }
0x5f: {  	[sflag:s31] =	ssyncadd.s32 @!p0 $0xFFFFC000  }
0x60: {  	v2 =	vld.msk [tilespmem:s23+$0xFFFFFFF8], $0xff;
	_ =	sdelay $0x4  }
0x61: {  	v3 =	vshll.u32 v2, $0x4  }
0x62: {  	v2 =	vand.u32 $0x7, v2;
	v3 =	vand.u32 $0xFFFFFF80, v3  }
0x63: {  	v2 =	vor.u32 v2, v3  }
0x64: {  	v2 =	vperm.xlane v2, v0;
	_ =	sdelay $0x1  }
0x65: {  	v2 =	vadd.s32 v1, v2;
	_ =	sdelay $0x4  }
0x66: {  	[tilespmem:s13], [sflag:$0x3] =	stream.indirect_vreg.gather [hbm4b:s2+s3], $0x80, v2, vm0, $0xb8;
	[tilespmem:$0x10400] =	vst v63  }
0x67: {  	s31 =	simm.s32 $0x8C00  }
0x68: {  	[tilespmem:s31], [sflag:$0x3] =	stream.indirect_vreg.gather [hbm4b:s5+s3], $0x80, v2, vm0, $0xb8;
	[tilespmem:$0x10400] =	vst v63  }
0x69: {  	s31 =	simm.s32 $0x9400  }
0x6a: {  	[tilespmem:s31], [sflag:$0x3] =	stream.indirect_vreg.gather [hbm4b:s6+s3], $0x80, v2, vm0, $0xb8;
	[tilespmem:$0x10400] =	vst v63  }
0x6b: {  	s31 =	simm.s32 $0x9C00  }
0x6c: {  	[tilespmem:s31], [sflag:$0x3] =	stream.indirect_vreg.gather [hbm4b:s7+s3], $0x80, v2, vm0, $0xb8;
	[tilespmem:$0x10400] =	vst v63  }
0x6d: {  	s31 =	simm.s32 $0xA400  }
0x6e: {  	[tilespmem:s31], [sflag:$0x3] =	stream.indirect_vreg.gather [hbm4b:s8+s3], $0x80, v2, vm0, $0xb8;
	[tilespmem:$0x10400] =	vst v63  }
0x6f: {  	s31 =	simm.s32 $0xAC00  }
0x70: {  	[tilespmem:s31], [sflag:$0x3] =	stream.indirect_vreg.gather [hbm4b:s9+s3], $0x80, v2, vm0, $0xb8;
	[tilespmem:$0x10400] =	vst v63  }
0x71: {  	s31 =	simm.s32 $0xB400  }
0x72: {  	[tilespmem:s31], [sflag:$0x3] =	stream.indirect_vreg.gather [hbm4b:s10+s3], $0x80, v2, vm0, $0xb8;
	[tilespmem:$0x10400] =	vst v63  }
0x73: {  	s31 =	simm.s32 $0xBC00  }
0x74: {  	[tilespmem:s31], [sflag:$0x3] =	stream.indirect_vreg.gather [hbm4b:s11+s3], $0x80, v2, vm0, $0xb8;
	[tilespmem:$0x10400] =	vst v63  }
0x75: {  	_ =	swait.ge [sflag:s25], $0x4000  }
0x76: {  	[sflag:s25] =	ssyncset.done $0x0  }
0x77: {  	s30 =	sadd.s32 $0x800, s30;
	p0 =	seq.s32 s29, $0x0;
	[sflag:s25] =	ssyncadd.s32 $0xFFFFC000  }
0x78: {  	[hbm4b:s30+s3] =	stream.linear.scatter [tilespmem:s26], [sflag:$0x6], $0x4000, $0x38;
	[tilespmem:$0x10400] =	vst v63  }
0x79: {  	s30 =	simm.s32 @!p0 $0x8  }
0x7a: {  	_ =	swait.ge @!p0 [sflag:s30], $0x4000  }
0x7b: {  	[sflag:s30] =	ssyncset.done @!p0 $0x0  }
0x7c: {  	[sflag:s30] =	ssyncadd.s32 @!p0 $0xFFFFC000  }
0x7d: {  	v2 =	vld.msk [tilespmem:s23+$0x0], $0xff;
	_ =	sdelay $0x4  }
0x7e: {  	v3 =	vshll.u32 v2, $0x4  }
0x7f: {  	v2 =	vand.u32 $0x7, v2;
	v3 =	vand.u32 $0xFFFFFF80, v3  }
0x80: {  	v2 =	vor.u32 v2, v3  }
0x81: {  	v2 =	vperm.xlane v2, v0;
	_ =	sdelay $0x1  }
0x82: {  	v2 =	vadd.s32 v1, v2;
	_ =	sdelay $0x4  }
0x83: {  	[tilespmem:s28], [sflag:$0x4] =	stream.indirect_vreg.gather [hbm4b:s2+s3], $0x80, v2, vm0, $0xb8;
	[tilespmem:$0x10400] =	vst v63  }
0x84: {  	s31 =	simm.s32 $0xCC00  }
0x85: {  	[tilespmem:s31], [sflag:$0x4] =	stream.indirect_vreg.gather [hbm4b:s5+s3], $0x80, v2, vm0, $0xb8;
	[tilespmem:$0x10400] =	vst v63  }
0x86: {  	s31 =	simm.s32 $0xD400  }
0x87: {  	[tilespmem:s31], [sflag:$0x4] =	stream.indirect_vreg.gather [hbm4b:s6+s3], $0x80, v2, vm0, $0xb8;
	[tilespmem:$0x10400] =	vst v63  }
0x88: {  	s31 =	simm.s32 $0xDC00  }
0x89: {  	[tilespmem:s31], [sflag:$0x4] =	stream.indirect_vreg.gather [hbm4b:s7+s3], $0x80, v2, vm0, $0xb8;
	[tilespmem:$0x10400] =	vst v63  }
0x8a: {  	_ = 	snop  }
0x8b: {  	[tilespmem:s0], [sflag:$0x4] =	stream.indirect_vreg.gather [hbm4b:s8+s3], $0x80, v2, vm0, $0xb8;
	[tilespmem:$0x10400] =	vst v63  }
0x8c: {  	_ = 	snop  }
0x8d: {  	[tilespmem:s1], [sflag:$0x4] =	stream.indirect_vreg.gather [hbm4b:s9+s3], $0x80, v2, vm0, $0xb8;
	[tilespmem:$0x10400] =	vst v63  }
0x8e: {  	_ = 	snop  }
0x8f: {  	[tilespmem:s4], [sflag:$0x4] =	stream.indirect_vreg.gather [hbm4b:s10+s3], $0x80, v2, vm0, $0xb8;
	[tilespmem:$0x10400] =	vst v63  }
0x90: {  	p0 =	seq.s32 s29, $0x3E000  }
0x91: {  	[tilespmem:s17], [sflag:$0x4] =	stream.indirect_vreg.gather [hbm4b:s11+s3], $0x80, v2, vm0, $0xb8;
	[tilespmem:$0x10400] =	vst v63  }
.Ltmp2:
0x92: {  	_ = 	snop;
	(pc) =	sbr.rel @p0 .LBB2_4-.Ltmp2, $4  }
0x93: {  	_ =	swait.ge [sflag:s19], $0x4000  }
0x94: {  	[sflag:s19] =	ssyncset.done $0x0  }
0x95: {  	s31 =	sadd.s32 s29, s16;
	[sflag:s19] =	ssyncadd.s32 $0xFFFFC000  }
0x96: {  	[hbm4b:s31+s3] =	stream.linear.scatter [tilespmem:s13], [sflag:$0x7], $0x4000, $0x38;
	[tilespmem:$0x10400] =	vst v63  }
0x97: {  	_ =	swait.ge [sflag:s21], $0x4000  }
0x98: {  	[sflag:s21] =	ssyncset.done $0x0  }
0x99: {  	[sflag:s21] =	ssyncadd.s32 $0xFFFFC000  }
0x9a: {  	v2 =	vld.msk [tilespmem:s23+$0x8], $0xff;
	_ =	sdelay $0x4  }
0x9b: {  	v3 =	vshll.u32 v2, $0x4  }
0x9c: {  	v2 =	vand.u32 $0x7, v2;
	v3 =	vand.u32 $0xFFFFFF80, v3  }
0x9d: {  	v2 =	vor.u32 v2, v3  }
0x9e: {  	v2 =	vperm.xlane v2, v0;
	_ =	sdelay $0x1  }
0x9f: {  	v2 =	vadd.s32 v1, v2;
	_ =	sdelay $0x4  }
0xa0: {  	[tilespmem:s18], [sflag:$0x1] =	stream.indirect_vreg.gather [hbm4b:s2+s3], $0x80, v2, vm0, $0xb8;
	[tilespmem:$0x10400] =	vst v63  }
0xa1: {  	s30 =	simm.s32 $0xC00  }
0xa2: {  	[tilespmem:s30], [sflag:$0x1] =	stream.indirect_vreg.gather [hbm4b:s5+s3], $0x80, v2, vm0, $0xb8;
	[tilespmem:$0x10400] =	vst v63  }
0xa3: {  	s31 =	simm.s32 $0x1400  }
0xa4: {  	[tilespmem:s31], [sflag:$0x1] =	stream.indirect_vreg.gather [hbm4b:s6+s3], $0x80, v2, vm0, $0xb8;
	[tilespmem:$0x10400] =	vst v63  }
0xa5: {  	s31 =	simm.s32 $0x1C00  }
0xa6: {  	[tilespmem:s31], [sflag:$0x1] =	stream.indirect_vreg.gather [hbm4b:s7+s3], $0x80, v2, vm0, $0xb8;
	[tilespmem:$0x10400] =	vst v63  }
0xa7: {  	s31 =	simm.s32 $0x2400  }
0xa8: {  	[tilespmem:s31], [sflag:$0x1] =	stream.indirect_vreg.gather [hbm4b:s8+s3], $0x80, v2, vm0, $0xb8;
	[tilespmem:$0x10400] =	vst v63  }
0xa9: {  	s31 =	simm.s32 $0x2C00  }
0xaa: {  	[tilespmem:s31], [sflag:$0x1] =	stream.indirect_vreg.gather [hbm4b:s9+s3], $0x80, v2, vm0, $0xb8;
	[tilespmem:$0x10400] =	vst v63  }
0xab: {  	s31 =	simm.s32 $0x3400  }
0xac: {  	[tilespmem:s31], [sflag:$0x1] =	stream.indirect_vreg.gather [hbm4b:s10+s3], $0x80, v2, vm0, $0xb8;
	[tilespmem:$0x10400] =	vst v63  }
0xad: {  	s31 =	simm.s32 $0x3C00  }
0xae: {  	[tilespmem:s31], [sflag:$0x1] =	stream.indirect_vreg.gather [hbm4b:s11+s3], $0x80, v2, vm0, $0xb8;
	[tilespmem:$0x10400] =	vst v63  }
0xaf: {  	_ =	swait.ge [sflag:s20], $0x4000  }
0xb0: {  	[sflag:s20] =	ssyncset.done $0x0  }
0xb1: {  	s31 =	sadd.s32 s29, s15;
	[sflag:s20] =	ssyncadd.s32 $0xFFFFC000  }
0xb2: {  	[hbm4b:s31+s3] =	stream.linear.scatter [tilespmem:s28], [sflag:$0x8], $0x4000, $0x38;
	[tilespmem:$0x10400] =	vst v63  }
0xb3: {  	_ =	swait.ge [sflag:s22], $0x4000  }
0xb4: {  	[sflag:s22] =	ssyncset.done $0x0  }
0xb5: {  	[sflag:s22] =	ssyncadd.s32 $0xFFFFC000  }
0xb6: {  	v2 =	vld.msk [tilespmem:s23+$0x10], $0xff;
	_ =	sdelay $0x4  }
0xb7: {  	v3 =	vshll.u32 v2, $0x4  }
0xb8: {  	v2 =	vand.u32 $0x7, v2;
	v3 =	vand.u32 $0xFFFFFF80, v3  }
0xb9: {  	v2 =	vor.u32 v2, v3  }
0xba: {  	v2 =	vperm.xlane v2, v0;
	_ =	sdelay $0x1  }
0xbb: {  	v2 =	vadd.s32 v1, v2;
	_ =	sdelay $0x4  }
0xbc: {  	[tilespmem:s26], [sflag:$0x2] =	stream.indirect_vreg.gather [hbm4b:s2+s3], $0x80, v2, vm0, $0xb8;
	[tilespmem:$0x10400] =	vst v63  }
0xbd: {  	s31 =	simm.s32 $0x4C00  }
0xbe: {  	[tilespmem:s31], [sflag:$0x2] =	stream.indirect_vreg.gather [hbm4b:s5+s3], $0x80, v2, vm0, $0xb8;
	[tilespmem:$0x10400] =	vst v63  }
0xbf: {  	s31 =	simm.s32 $0x5400  }
0xc0: {  	[tilespmem:s31], [sflag:$0x2] =	stream.indirect_vreg.gather [hbm4b:s6+s3], $0x80, v2, vm0, $0xb8;
	[tilespmem:$0x10400] =	vst v63  }
0xc1: {  	s31 =	simm.s32 $0x5C00  }
0xc2: {  	[tilespmem:s31], [sflag:$0x2] =	stream.indirect_vreg.gather [hbm4b:s7+s3], $0x80, v2, vm0, $0xb8;
	[tilespmem:$0x10400] =	vst v63  }
0xc3: {  	s31 =	simm.s32 $0x6400  }
0xc4: {  	[tilespmem:s31], [sflag:$0x2] =	stream.indirect_vreg.gather [hbm4b:s8+s3], $0x80, v2, vm0, $0xb8;
	[tilespmem:$0x10400] =	vst v63  }
0xc5: {  	s31 =	simm.s32 $0x6C00  }
0xc6: {  	[tilespmem:s31], [sflag:$0x2] =	stream.indirect_vreg.gather [hbm4b:s9+s3], $0x80, v2, vm0, $0xb8;
	[tilespmem:$0x10400] =	vst v63  }
.Ltmp3:
0xc7: {  	_ = 	snop;
	(pc) =	sbr.rel .LBB2_2-.Ltmp3, $4  }
0xc8: {  	s24 =	sadd.s32 $0x4, s24;
	s31 =	simm.s32 $0x7400  }
0xc9: {  	[tilespmem:s31], [sflag:$0x2] =	stream.indirect_vreg.gather [hbm4b:s10+s3], $0x80, v2, vm0, $0xb8;
	[tilespmem:$0x10400] =	vst v63  }
0xca: {  	s29 =	sadd.s32 $0x2000, s29;
	s23 =	sadd.s32 $0x20, s23;
	s31 =	simm.s32 $0x7C00  }
0xcb: {  	[tilespmem:s31], [sflag:$0x2] =	stream.indirect_vreg.gather [hbm4b:s11+s3], $0x80, v2, vm0, $0xb8;
	[tilespmem:$0x10400] =	vst v63  }
.LBB2_5:
0xcc: {  	_ =	sfence.sel $0x180000  }
0xcd: {  	[bflag:$0x0] =	sbarrier.arrive $0xFFFF  }
0xce: {  	_ =	strace $0x90000047  }
0xcf: {  	s0 =	stileid.u32;
	[bflag:$0x2] =	sbarrier.arrive $0xFFFF  }
0xd0: {  	p0 =	sne.s32 s0, $0x0;
	s0 =	rddreg [dreg:$0x3]  }
0xd1: {  	s0 =	sadd.s32 @!p0 $0x100000, s0  }
0xd2: {  	[sflag:s0] =	ssyncadd.tile.s32 @!p0 $0x1;
	_ =	shalt  }
.Lfunc_end2:
_tile_overlayer_lowered:
.L_overlay_start_2:
0xd3: {  	(tag) =	ssettag $0x2  }
0xd4: {  	s0 =	rddreg [dreg:$0x0];
	s2 =	stileid.u32  }
0xd5: {  	s1 =	rddreg [dreg:$0x1];
	p0 =	sne.s32 s2, $0x0  }
0xd6: {  	s3 =	rddreg [dreg:$0x2];
	[bflag:$0x3] =	sbarrier.arrive $0xFFFF;
	s2 =	simm.s32 @!p0 $0x1C09  }
0xd7: {  	[timem:s3], [sflag:s2] =	dma.local @!p0 [hbm:s0], s1  }
0xd8: {  	s0 =	simm.s32 @!p0 $0x9  }
0xd9: {  	_ =	swait.ge @!p0 [sflag:s0], s1  }
0xda: {  	s1 =	ssub.s32 @!p0 $0x0, s1;
	[sflag:s0] =	ssyncset.done @!p0 $0x0  }
0xdb: {  	[sflag:s0] =	ssyncadd.s32 @!p0 s1  }
0xdc: {  	[bflag:$0x3] =	sbarrier.arrive $0xFFFF  }
0xdd: {  	_ =	shalt  }

</sc_bundles>
